<compile_context>
chip_gen: v7x
topology: tpu7x:2x2x1
jax: 0.10.2.dev20260603
libtpu: 0.0.44.dev20260713+nightly
codegen_flags: <defaults>
</compile_context>

<pallas_src>
import functools

import jax
import jax.numpy as jnp
import numpy as np
from jax import lax
from jax.experimental import pallas as pl
from jax.experimental.pallas import tpu as pltpu
from jax.experimental.pallas import tpu_sc as plsc

B = 16384
D_EMB = 64
N_CONT = 64
HIDDEN = 32
N_STACKS = 100000
PACK = 128 // HIDDEN
S = 25088
CHUNK = 128
BLK1 = S // 4

_S_ALL = np.arange(B, dtype=np.int32)
_SIDX = (PACK * (_S_ALL % (B // PACK)) + _S_ALL // (B // PACK)).reshape(
    B // CHUNK, CHUNK
)


def _premul_body(t0_ref, t1_ref, t2_ref, t3_ref, wet_ref, o_hbm, buf, sem):
    nlb = S // BLK1
    i = pl.program_id(0)
    wet = wet_ref[...]
    zs = [
        lax.dot_general(
            wet,
            t_ref[...],
            (((1,), (0,)), ((), ())),
            preferred_element_type=jnp.float32,
        )
        for t_ref in (t0_ref, t1_ref, t2_ref, t3_ref)
    ]
    z = jnp.concatenate(zs, axis=0)

    slot = lax.rem(i, 2)
    prev_slot = lax.rem(i + 1, 2)

    @pl.when(i > 0)
    def _():
        pltpu.make_async_copy(
            buf.at[prev_slot],
            o_hbm.at[pl.ds((i - 1) * BLK1, BLK1), :],
            sem,
        ).wait()

    buf[slot] = z.T
    cp = pltpu.make_async_copy(
        buf.at[slot],
        o_hbm.at[pl.ds(i * BLK1, BLK1), :],
        sem,
    )
    cp.start()

    @pl.when(i == nlb - 1)
    def _():
        cp.wait()


def _premul(tt, wet):
    nlb = S // BLK1
    grid = (nlb,)

    def tt_spec(k):
        return pl.BlockSpec((D_EMB, BLK1), lambda i, _k=k: (0, _k * nlb + i))

    return pl.pallas_call(
        _premul_body,
        grid=grid,
        in_specs=[
            tt_spec(0),
            tt_spec(1),
            tt_spec(2),
            tt_spec(3),
            pl.BlockSpec((HIDDEN, D_EMB), lambda i: (0, 0)),
        ],
        out_specs=pl.BlockSpec(memory_space=pltpu.MemorySpace.HBM),
        out_shape=jax.ShapeDtypeStruct((S, PACK * HIDDEN), jnp.float32),
        scratch_shapes=[
            pltpu.VMEM((2, BLK1, PACK * HIDDEN), jnp.float32),
            pltpu.SemaphoreType.DMA,
        ],
    )(tt, tt, tt, tt, wet)


def _make_gather():
    info = plsc.get_sparse_core_info()
    nw = info.num_cores * info.num_subcores
    b_per_w = B // nw
    n_ch = b_per_w // CHUNK

    mesh = plsc.VectorSubcoreMesh(core_axis_name="c", subcore_axis_name="s")

    @functools.partial(
        pl.kernel,
        mesh=mesh,
        out_type=jax.ShapeDtypeStruct((B, HIDDEN), jnp.float32),
        scratch_types=[
            pltpu.VMEM((n_ch, CHUNK), jnp.int32),
            pltpu.VMEM((n_ch, CHUNK), jnp.int32),
            pltpu.VMEM((b_per_w, HIDDEN), jnp.float32),
            pltpu.SemaphoreType.DMA,
            pltpu.SemaphoreType.DMA,
        ],
        compiler_params=pltpu.CompilerParams(use_tc_tiling_on_sc=False),
    )
    def gather_kernel(y_hbm, idx_hbm, sidx_hbm, out_hbm, idx_v, sidx_v, rows_v, sem, sem2):
        wid = lax.axis_index("s") * info.num_cores + lax.axis_index("c")
        pltpu.sync_copy(idx_hbm.at[pl.ds(wid * n_ch, n_ch)], idx_v)
        pltpu.sync_copy(sidx_hbm.at[pl.ds(wid * n_ch, n_ch)], sidx_v)
        copies = []
        for j in range(n_ch):
            copies.append(
                pltpu.async_copy(
                    y_hbm.at[idx_v.at[j]],
                    rows_v.at[pl.ds(j * CHUNK, CHUNK)],
                    sem,
                )
            )
        scatters = []
        for j in range(n_ch):
            copies[j].wait()
            scatters.append(
                pltpu.async_copy(
                    rows_v.at[pl.ds(j * CHUNK, CHUNK)],
                    out_hbm.at[sidx_v.at[j]],
                    sem2,
                )
            )
        for cp in scatters:
            cp.wait()

    return gather_kernel


def _finish_body(g_ref, ct_ref, wct_ref, bt_ref, o_ref):
    hct = lax.dot_general(
        wct_ref[...],
        ct_ref[...],
        (((1,), (0,)), ((), ())),
        preferred_element_type=jnp.float32,
    )
    J = B // PACK
    bias = bt_ref[...]
    eye = jnp.eye(HIDDEN, dtype=jnp.float32)
    for a in range(PACK):
        ga = g_ref[:, a * HIDDEN:(a + 1) * HIDDEN]
        gta = lax.dot_general(
            eye, ga, (((1,), (1,)), ((), ())),
            preferred_element_type=jnp.float32,
        )
        o_ref[:, a * J:(a + 1) * J] = jnp.maximum(
            gta + hct[:, a * J:(a + 1) * J] + bias, 0.0
        )


def _finish(g4s, ct, wct, bt):
    return pl.pallas_call(
        _finish_body,
        grid=(1,),
        in_specs=[
            pl.BlockSpec((B // PACK, PACK * HIDDEN), lambda i: (0, 0)),
            pl.BlockSpec((N_CONT, B), lambda i: (0, 0)),
            pl.BlockSpec((HIDDEN, N_CONT), lambda i: (0, 0)),
            pl.BlockSpec((HIDDEN, 1), lambda i: (0, 0)),
        ],
        out_specs=pl.BlockSpec((HIDDEN, B), lambda i: (0, 0)),
        out_shape=jax.ShapeDtypeStruct((HIDDEN, B), jnp.float32),
    )(g4s, ct, wct, bt)


def kernel(stack_code, cont_feats, emb_table, W, b):
    idx = stack_code.astype(jnp.int32)
    idx2 = (PACK * lax.rem(idx, S) + lax.div(idx, S)).reshape(B // CHUNK, CHUNK)
    sidx = jnp.asarray(_SIDX)

    tt = emb_table.T
    wet = W.T[:, :D_EMB]
    y_packed = _premul(tt, wet)
    yv = y_packed.reshape(PACK * S, HIDDEN)

    g = _make_gather()(yv, idx2, sidx)
    g4s = g.reshape(B // PACK, PACK * HIDDEN)

    ct = cont_feats.T
    wct = W.T[:, D_EMB:]
    bt = b.reshape(HIDDEN, 1)

    out_t = _finish(g4s, ct, wct, bt)
    return out_t.T

# --- scband reference (transcript-rebuilt; emitter-appended) ---
"""Pipeline reference for scband-large-tabular-branch-19971597926930 (READ-ONLY COPY).

The authoritative reference and input builder live on the scoring server;
editing this copy changes nothing except your own understanding.
"""

import jax, jax.numpy as jnp
import numpy as np

N_STACKS = 100000
D_EMB = 64
N_CONT = 64
BATCH = 16384
HIDDEN = 32


def setup_inputs(seed: int = 0) -> dict:
    key = jax.random.key(seed)
    k1, k2, k3, k4, k5 = jax.random.split(key, 5)
    stack_code = jax.random.randint(k1, (BATCH,), 0, N_STACKS, dtype=jnp.int64 if jax.config.jax_enable_x64 else jnp.int32)
    cont_feats = jax.random.normal(k2, (BATCH, N_CONT), dtype=jnp.float32)
    # learned params
    emb_table = jax.random.normal(k3, (N_STACKS, D_EMB), dtype=jnp.float32)
    fan_in = D_EMB + N_CONT
    bound = 1.0 / np.sqrt(fan_in)
    W = jax.random.uniform(k4, (fan_in, HIDDEN), minval=-bound, maxval=bound, dtype=jnp.float32)
    b = jax.random.uniform(k5, (HIDDEN,), minval=-bound, maxval=bound, dtype=jnp.float32)
    return {"stack_code": stack_code, "cont_feats": cont_feats, "emb_table": emb_table, "W": W, "b": b}


def reference(stack_code, cont_feats, emb_table, W, b):
    # e = self.emb(stack_code)
    e = jnp.take(emb_table, stack_code, axis=0)
    # c = cont_feats (not None in this configuration)
    x = jnp.concatenate([e, cont_feats], axis=1)
    # nn.Linear + ReLU
    h = x @ W + b
    return jax.nn.relu(h)

if __name__ == "__main__":
    import jax
    _d = setup_inputs()
    print(jax.jit(kernel)(*tuple(_d.values())))

</pallas_src>

<mosaic_0001>
#map = affine_map<(d0, d1) -> (0, 0)>
module attributes {stable_mosaic.version = 14 : i64} {
  func.func @gather_kernel(%arg0: i32, %arg1: i32, %arg2: memref<100352x32xf32, #tpu.memory_space<hbm>>, %arg3: memref<128x128xi32, #tpu.memory_space<hbm>>, %arg4: memref<128x128xi32, #tpu.memory_space<hbm>>, %arg5: memref<16384x32xf32, #tpu.memory_space<hbm>>, %arg6: memref<4x128xi32, #tpu.memory_space<vmem>>, %arg7: memref<4x128xi32, #tpu.memory_space<vmem>>, %arg8: memref<512x32xf32, #tpu.memory_space<vmem>>, %arg9: memref<!tpu.dma_semaphore, #tpu.memory_space<semaphore_mem>>, %arg10: memref<!tpu.dma_semaphore, #tpu.memory_space<semaphore_mem>>) attributes {dimension_semantics = [#tpu.dimension_semantics<core_parallel>, #tpu.dimension_semantics<subcore_parallel>], iteration_bounds = array<i64: 2, 16>, scalar_prefetch = 0 : i64, scratch_operands = 5 : i64, tpu.core_type = #tpu.core_type<sc_vector_subcore>, window_params = [{transform_indices = #map}, {transform_indices = #map}, {transform_indices = #map}, {transform_indices = #map}]} {
    %mul3A = arith.constant 2 : i32
    %mul3A_0 = arith.muli %arg1, %mul3A : i32
    %add3A = arith.addi %mul3A_0, %arg0 : i32
    %mul3A_1 = arith.constant 4 : i32
    %mul3A_2 = arith.muli %add3A, %mul3A_1 : i32
    "tpu.region"() ({
      %run_scoped3A = tpu.sem_alloc : memref<!tpu.dma_semaphore, #tpu.memory_space<semaphore_mem>>
      %dma_start3A_163 = arith.constant 0 : i32
      %dma_start3A_164 = tpu.memref_slice %arg3[%mul3A_2, %dma_start3A_163] : memref<128x128xi32, #tpu.memory_space<hbm>> -> memref<4x128xi32, #tpu.memory_space<hbm>>
      %dma_start3A_165 = arith.constant 0 : i32
      %dma_start3A_166 = tpu.memref_slice %arg3[%mul3A_2, %dma_start3A_165] : memref<128x128xi32, #tpu.memory_space<hbm>> -> memref<4x128xi32, #tpu.memory_space<hbm>>
      tpu.enqueue_dma source(%dma_start3A_166 : memref<4x128xi32, #tpu.memory_space<hbm>>) target(%arg6 : memref<4x128xi32, #tpu.memory_space<vmem>>) target_semaphore(%run_scoped3A : memref<!tpu.dma_semaphore, #tpu.memory_space<semaphore_mem>>)
      %dma_wait3A_167 = arith.constant 0 : i32
      %dma_wait3A_168 = tpu.memref_slice %arg3[%mul3A_2, %dma_wait3A_167] : memref<128x128xi32, #tpu.memory_space<hbm>> -> memref<4x128xi32, #tpu.memory_space<hbm>>
      %dma_wait3A_169 = arith.constant 0 : i32
      %dma_wait3A_170 = tpu.memref_slice %arg3[%mul3A_2, %dma_wait3A_169] : memref<128x128xi32, #tpu.memory_space<hbm>> -> memref<4x128xi32, #tpu.memory_space<hbm>>
      tpu.wait_dma2 semaphore(%run_scoped3A : memref<!tpu.dma_semaphore, #tpu.memory_space<semaphore_mem>>) src(%dma_wait3A_170 : memref<4x128xi32, #tpu.memory_space<hbm>>) dst(%arg6 : memref<4x128xi32, #tpu.memory_space<vmem>>)
      tpu.yield
    }) : () -> ()
    %mul3A_3 = arith.constant 4 : i32
    %mul3A_4 = arith.muli %add3A, %mul3A_3 : i32
    "tpu.region"() ({
      %run_scoped3A = tpu.sem_alloc : memref<!tpu.dma_semaphore, #tpu.memory_space<semaphore_mem>>
      %dma_start3A_163 = arith.constant 0 : i32
      %dma_start3A_164 = tpu.memref_slice %arg4[%mul3A_4, %dma_start3A_163] : memref<128x128xi32, #tpu.memory_space<hbm>> -> memref<4x128xi32, #tpu.memory_space<hbm>>
      %dma_start3A_165 = arith.constant 0 : i32
      %dma_start3A_166 = tpu.memref_slice %arg4[%mul3A_4, %dma_start3A_165] : memref<128x128xi32, #tpu.memory_space<hbm>> -> memref<4x128xi32, #tpu.memory_space<hbm>>
      tpu.enqueue_dma source(%dma_start3A_166 : memref<4x128xi32, #tpu.memory_space<hbm>>) target(%arg7 : memref<4x128xi32, #tpu.memory_space<vmem>>) target_semaphore(%run_scoped3A : memref<!tpu.dma_semaphore, #tpu.memory_space<semaphore_mem>>)
      %dma_wait3A_167 = arith.constant 0 : i32
      %dma_wait3A_168 = tpu.memref_slice %arg4[%mul3A_4, %dma_wait3A_167] : memref<128x128xi32, #tpu.memory_space<hbm>> -> memref<4x128xi32, #tpu.memory_space<hbm>>
      %dma_wait3A_169 = arith.constant 0 : i32
      %dma_wait3A_170 = tpu.memref_slice %arg4[%mul3A_4, %dma_wait3A_169] : memref<128x128xi32, #tpu.memory_space<hbm>> -> memref<4x128xi32, #tpu.memory_space<hbm>>
      tpu.wait_dma2 semaphore(%run_scoped3A : memref<!tpu.dma_semaphore, #tpu.memory_space<semaphore_mem>>) src(%dma_wait3A_170 : memref<4x128xi32, #tpu.memory_space<hbm>>) dst(%arg7 : memref<4x128xi32, #tpu.memory_space<vmem>>)
      tpu.yield
    }) : () -> ()
    %dma_start3A = arith.constant 0 : i32
    %dma_start3A_5 = arith.constant 0 : i32
    %dma_start3A_6 = arith.constant 0 : i32
    %dma_start3A_7 = tpu.memref_slice %arg8[%dma_start3A_5, %dma_start3A_6] : memref<512x32xf32, #tpu.memory_space<vmem>> -> memref<128x32xf32, #tpu.memory_space<vmem>>
    %dma_start3A_8 = arith.constant 0 : i32
    %dma_start3A_9 = tpu.memref_slice %arg6[%dma_start3A, %dma_start3A_8] : memref<4x128xi32, #tpu.memory_space<vmem>> -> memref<1x128xi32, #tpu.memory_space<vmem>>
    %dma_start3A_10 = tpu.memref_squeeze %dma_start3A_9 : memref<1x128xi32, #tpu.memory_space<vmem>> -> memref<128xi32, #tpu.memory_space<vmem>>
    %dma_start3A_11 = arith.constant 0 : i32
    %dma_start3A_12 = arith.constant 0 : i32
    %dma_start3A_13 = tpu.memref_slice %arg2[%dma_start3A_11, %dma_start3A_12] : memref<100352x32xf32, #tpu.memory_space<hbm>> -> memref<100352x32xf32, #tpu.memory_space<hbm>>
    tpu.enqueue_indirect_dma source(%dma_start3A_13 : memref<100352x32xf32, #tpu.memory_space<hbm>>) target(%dma_start3A_7 : memref<128x32xf32, #tpu.memory_space<vmem>>) offsets(%dma_start3A_10 : memref<128xi32, #tpu.memory_space<vmem>>) semaphore(%arg9 : memref<!tpu.dma_semaphore, #tpu.memory_space<semaphore_mem>>)
    %dma_start3A_14 = arith.constant 1 : i32
    %dma_start3A_15 = arith.constant 128 : i32
    %dma_start3A_16 = arith.constant 0 : i32
    %dma_start3A_17 = tpu.memref_slice %arg8[%dma_start3A_15, %dma_start3A_16] : memref<512x32xf32, #tpu.memory_space<vmem>> -> memref<128x32xf32, #tpu.memory_space<vmem>>
    %dma_start3A_18 = arith.constant 0 : i32
    %dma_start3A_19 = tpu.memref_slice %arg6[%dma_start3A_14, %dma_start3A_18] : memref<4x128xi32, #tpu.memory_space<vmem>> -> memref<1x128xi32, #tpu.memory_space<vmem>>
    %dma_start3A_20 = tpu.memref_squeeze %dma_start3A_19 : memref<1x128xi32, #tpu.memory_space<vmem>> -> memref<128xi32, #tpu.memory_space<vmem>>
    %dma_start3A_21 = arith.constant 0 : i32
    %dma_start3A_22 = arith.constant 0 : i32
    %dma_start3A_23 = tpu.memref_slice %arg2[%dma_start3A_21, %dma_start3A_22] : memref<100352x32xf32, #tpu.memory_space<hbm>> -> memref<100352x32xf32, #tpu.memory_space<hbm>>
    tpu.enqueue_indirect_dma source(%dma_start3A_23 : memref<100352x32xf32, #tpu.memory_space<hbm>>) target(%dma_start3A_17 : memref<128x32xf32, #tpu.memory_space<vmem>>) offsets(%dma_start3A_20 : memref<128xi32, #tpu.memory_space<vmem>>) semaphore(%arg9 : memref<!tpu.dma_semaphore, #tpu.memory_space<semaphore_mem>>)
    %dma_start3A_24 = arith.constant 2 : i32
    %dma_start3A_25 = arith.constant 256 : i32
    %dma_start3A_26 = arith.constant 0 : i32
    %dma_start3A_27 = tpu.memref_slice %arg8[%dma_start3A_25, %dma_start3A_26] : memref<512x32xf32, #tpu.memory_space<vmem>> -> memref<128x32xf32, #tpu.memory_space<vmem>>
    %dma_start3A_28 = arith.constant 0 : i32
    %dma_start3A_29 = tpu.memref_slice %arg6[%dma_start3A_24, %dma_start3A_28] : memref<4x128xi32, #tpu.memory_space<vmem>> -> memref<1x128xi32, #tpu.memory_space<vmem>>
    %dma_start3A_30 = tpu.memref_squeeze %dma_start3A_29 : memref<1x128xi32, #tpu.memory_space<vmem>> -> memref<128xi32, #tpu.memory_space<vmem>>
    %dma_start3A_31 = arith.constant 0 : i32
    %dma_start3A_32 = arith.constant 0 : i32
    %dma_start3A_33 = tpu.memref_slice %arg2[%dma_start3A_31, %dma_start3A_32] : memref<100352x32xf32, #tpu.memory_space<hbm>> -> memref<100352x32xf32, #tpu.memory_space<hbm>>
    tpu.enqueue_indirect_dma source(%dma_start3A_33 : memref<100352x32xf32, #tpu.memory_space<hbm>>) target(%dma_start3A_27 : memref<128x32xf32, #tpu.memory_space<vmem>>) offsets(%dma_start3A_30 : memref<128xi32, #tpu.memory_space<vmem>>) semaphore(%arg9 : memref<!tpu.dma_semaphore, #tpu.memory_space<semaphore_mem>>)
    %dma_start3A_34 = arith.constant 3 : i32
    %dma_start3A_35 = arith.constant 384 : i32
    %dma_start3A_36 = arith.constant 0 : i32
    %dma_start3A_37 = tpu.memref_slice %arg8[%dma_start3A_35, %dma_start3A_36] : memref<512x32xf32, #tpu.memory_space<vmem>> -> memref<128x32xf32, #tpu.memory_space<vmem>>
    %dma_start3A_38 = arith.constant 0 : i32
    %dma_start3A_39 = tpu.memref_slice %arg6[%dma_start3A_34, %dma_start3A_38] : memref<4x128xi32, #tpu.memory_space<vmem>> -> memref<1x128xi32, #tpu.memory_space<vmem>>
    %dma_start3A_40 = tpu.memref_squeeze %dma_start3A_39 : memref<1x128xi32, #tpu.memory_space<vmem>> -> memref<128xi32, #tpu.memory_space<vmem>>
    %dma_start3A_41 = arith.constant 0 : i32
    %dma_start3A_42 = arith.constant 0 : i32
    %dma_start3A_43 = tpu.memref_slice %arg2[%dma_start3A_41, %dma_start3A_42] : memref<100352x32xf32, #tpu.memory_space<hbm>> -> memref<100352x32xf32, #tpu.memory_space<hbm>>
    tpu.enqueue_indirect_dma source(%dma_start3A_43 : memref<100352x32xf32, #tpu.memory_space<hbm>>) target(%dma_start3A_37 : memref<128x32xf32, #tpu.memory_space<vmem>>) offsets(%dma_start3A_40 : memref<128xi32, #tpu.memory_space<vmem>>) semaphore(%arg9 : memref<!tpu.dma_semaphore, #tpu.memory_space<semaphore_mem>>)
    %dma_wait3A = arith.constant 0 : i32
    %dma_wait3A_44 = arith.constant 0 : i32
    %dma_wait3A_45 = arith.constant 0 : i32
    %dma_wait3A_46 = tpu.memref_slice %arg8[%dma_wait3A_44, %dma_wait3A_45] : memref<512x32xf32, #tpu.memory_space<vmem>> -> memref<128x32xf32, #tpu.memory_space<vmem>>
    %dma_wait3A_47 = arith.constant 0 : i32
    %dma_wait3A_48 = tpu.memref_slice %arg6[%dma_wait3A, %dma_wait3A_47] : memref<4x128xi32, #tpu.memory_space<vmem>> -> memref<1x128xi32, #tpu.memory_space<vmem>>
    %dma_wait3A_49 = tpu.memref_squeeze %dma_wait3A_48 : memref<1x128xi32, #tpu.memory_space<vmem>> -> memref<128xi32, #tpu.memory_space<vmem>>
    %dma_wait3A_50 = arith.constant 0 : i32
    %dma_wait3A_51 = arith.constant 0 : i32
    %dma_wait3A_52 = tpu.memref_slice %arg2[%dma_wait3A_50, %dma_wait3A_51] : memref<100352x32xf32, #tpu.memory_space<hbm>> -> memref<100352x32xf32, #tpu.memory_space<hbm>>
    tpu.wait_indirect_dma semaphore(%arg9 : memref<!tpu.dma_semaphore, #tpu.memory_space<semaphore_mem>>) src(%dma_wait3A_52 : memref<100352x32xf32, #tpu.memory_space<hbm>>) dst(%dma_wait3A_46 : memref<128x32xf32, #tpu.memory_space<vmem>>)
    %dma_start3A_53 = arith.constant 0 : i32
    %dma_start3A_54 = arith.constant 0 : i32
    %dma_start3A_55 = arith.constant 0 : i32
    %dma_start3A_56 = tpu.memref_slice %arg8[%dma_start3A_54, %dma_start3A_55] : memref<512x32xf32, #tpu.memory_space<vmem>> -> memref<128x32xf32, #tpu.memory_space<vmem>>
    %dma_start3A_57 = arith.constant 0 : i32
    %dma_start3A_58 = tpu.memref_slice %arg7[%dma_start3A_53, %dma_start3A_57] : memref<4x128xi32, #tpu.memory_space<vmem>> -> memref<1x128xi32, #tpu.memory_space<vmem>>
    %dma_start3A_59 = tpu.memref_squeeze %dma_start3A_58 : memref<1x128xi32, #tpu.memory_space<vmem>> -> memref<128xi32, #tpu.memory_space<vmem>>
    %dma_start3A_60 = arith.constant 0 : i32
    %dma_start3A_61 = arith.constant 0 : i32
    %dma_start3A_62 = tpu.memref_slice %arg5[%dma_start3A_60, %dma_start3A_61] : memref<16384x32xf32, #tpu.memory_space<hbm>> -> memref<16384x32xf32, #tpu.memory_space<hbm>>
    tpu.enqueue_indirect_dma source(%dma_start3A_56 : memref<128x32xf32, #tpu.memory_space<vmem>>) target(%dma_start3A_62 : memref<16384x32xf32, #tpu.memory_space<hbm>>) offsets(%dma_start3A_59 : memref<128xi32, #tpu.memory_space<vmem>>) semaphore(%arg10 : memref<!tpu.dma_semaphore, #tpu.memory_space<semaphore_mem>>)
    %dma_wait3A_63 = arith.constant 1 : i32
    %dma_wait3A_64 = arith.constant 128 : i32
    %dma_wait3A_65 = arith.constant 0 : i32
    %dma_wait3A_66 = tpu.memref_slice %arg8[%dma_wait3A_64, %dma_wait3A_65] : memref<512x32xf32, #tpu.memory_space<vmem>> -> memref<128x32xf32, #tpu.memory_space<vmem>>
    %dma_wait3A_67 = arith.constant 0 : i32
    %dma_wait3A_68 = tpu.memref_slice %arg6[%dma_wait3A_63, %dma_wait3A_67] : memref<4x128xi32, #tpu.memory_space<vmem>> -> memref<1x128xi32, #tpu.memory_space<vmem>>
    %dma_wait3A_69 = tpu.memref_squeeze %dma_wait3A_68 : memref<1x128xi32, #tpu.memory_space<vmem>> -> memref<128xi32, #tpu.memory_space<vmem>>
    %dma_wait3A_70 = arith.constant 0 : i32
    %dma_wait3A_71 = arith.constant 0 : i32
    %dma_wait3A_72 = tpu.memref_slice %arg2[%dma_wait3A_70, %dma_wait3A_71] : memref<100352x32xf32, #tpu.memory_space<hbm>> -> memref<100352x32xf32, #tpu.memory_space<hbm>>
    tpu.wait_indirect_dma semaphore(%arg9 : memref<!tpu.dma_semaphore, #tpu.memory_space<semaphore_mem>>) src(%dma_wait3A_72 : memref<100352x32xf32, #tpu.memory_space<hbm>>) dst(%dma_wait3A_66 : memref<128x32xf32, #tpu.memory_space<vmem>>)
    %dma_start3A_73 = arith.constant 1 : i32
    %dma_start3A_74 = arith.constant 128 : i32
    %dma_start3A_75 = arith.constant 0 : i32
    %dma_start3A_76 = tpu.memref_slice %arg8[%dma_start3A_74, %dma_start3A_75] : memref<512x32xf32, #tpu.memory_space<vmem>> -> memref<128x32xf32, #tpu.memory_space<vmem>>
    %dma_start3A_77 = arith.constant 0 : i32
    %dma_start3A_78 = tpu.memref_slice %arg7[%dma_start3A_73, %dma_start3A_77] : memref<4x128xi32, #tpu.memory_space<vmem>> -> memref<1x128xi32, #tpu.memory_space<vmem>>
    %dma_start3A_79 = tpu.memref_squeeze %dma_start3A_78 : memref<1x128xi32, #tpu.memory_space<vmem>> -> memref<128xi32, #tpu.memory_space<vmem>>
    %dma_start3A_80 = arith.constant 0 : i32
    %dma_start3A_81 = arith.constant 0 : i32
    %dma_start3A_82 = tpu.memref_slice %arg5[%dma_start3A_80, %dma_start3A_81] : memref<16384x32xf32, #tpu.memory_space<hbm>> -> memref<16384x32xf32, #tpu.memory_space<hbm>>
    tpu.enqueue_indirect_dma source(%dma_start3A_76 : memref<128x32xf32, #tpu.memory_space<vmem>>) target(%dma_start3A_82 : memref<16384x32xf32, #tpu.memory_space<hbm>>) offsets(%dma_start3A_79 : memref<128xi32, #tpu.memory_space<vmem>>) semaphore(%arg10 : memref<!tpu.dma_semaphore, #tpu.memory_space<semaphore_mem>>)
    %dma_wait3A_83 = arith.constant 2 : i32
    %dma_wait3A_84 = arith.constant 256 : i32
    %dma_wait3A_85 = arith.constant 0 : i32
    %dma_wait3A_86 = tpu.memref_slice %arg8[%dma_wait3A_84, %dma_wait3A_85] : memref<512x32xf32, #tpu.memory_space<vmem>> -> memref<128x32xf32, #tpu.memory_space<vmem>>
    %dma_wait3A_87 = arith.constant 0 : i32
    %dma_wait3A_88 = tpu.memref_slice %arg6[%dma_wait3A_83, %dma_wait3A_87] : memref<4x128xi32, #tpu.memory_space<vmem>> -> memref<1x128xi32, #tpu.memory_space<vmem>>
    %dma_wait3A_89 = tpu.memref_squeeze %dma_wait3A_88 : memref<1x128xi32, #tpu.memory_space<vmem>> -> memref<128xi32, #tpu.memory_space<vmem>>
    %dma_wait3A_90 = arith.constant 0 : i32
    %dma_wait3A_91 = arith.constant 0 : i32
    %dma_wait3A_92 = tpu.memref_slice %arg2[%dma_wait3A_90, %dma_wait3A_91] : memref<100352x32xf32, #tpu.memory_space<hbm>> -> memref<100352x32xf32, #tpu.memory_space<hbm>>
    tpu.wait_indirect_dma semaphore(%arg9 : memref<!tpu.dma_semaphore, #tpu.memory_space<semaphore_mem>>) src(%dma_wait3A_92 : memref<100352x32xf32, #tpu.memory_space<hbm>>) dst(%dma_wait3A_86 : memref<128x32xf32, #tpu.memory_space<vmem>>)
    %dma_start3A_93 = arith.constant 2 : i32
    %dma_start3A_94 = arith.constant 256 : i32
    %dma_start3A_95 = arith.constant 0 : i32
    %dma_start3A_96 = tpu.memref_slice %arg8[%dma_start3A_94, %dma_start3A_95] : memref<512x32xf32, #tpu.memory_space<vmem>> -> memref<128x32xf32, #tpu.memory_space<vmem>>
    %dma_start3A_97 = arith.constant 0 : i32
    %dma_start3A_98 = tpu.memref_slice %arg7[%dma_start3A_93, %dma_start3A_97] : memref<4x128xi32, #tpu.memory_space<vmem>> -> memref<1x128xi32, #tpu.memory_space<vmem>>
    %dma_start3A_99 = tpu.memref_squeeze %dma_start3A_98 : memref<1x128xi32, #tpu.memory_space<vmem>> -> memref<128xi32, #tpu.memory_space<vmem>>
    %dma_start3A_100 = arith.constant 0 : i32
    %dma_start3A_101 = arith.constant 0 : i32
    %dma_start3A_102 = tpu.memref_slice %arg5[%dma_start3A_100, %dma_start3A_101] : memref<16384x32xf32, #tpu.memory_space<hbm>> -> memref<16384x32xf32, #tpu.memory_space<hbm>>
    tpu.enqueue_indirect_dma source(%dma_start3A_96 : memref<128x32xf32, #tpu.memory_space<vmem>>) target(%dma_start3A_102 : memref<16384x32xf32, #tpu.memory_space<hbm>>) offsets(%dma_start3A_99 : memref<128xi32, #tpu.memory_space<vmem>>) semaphore(%arg10 : memref<!tpu.dma_semaphore, #tpu.memory_space<semaphore_mem>>)
    %dma_wait3A_103 = arith.constant 3 : i32
    %dma_wait3A_104 = arith.constant 384 : i32
    %dma_wait3A_105 = arith.constant 0 : i32
    %dma_wait3A_106 = tpu.memref_slice %arg8[%dma_wait3A_104, %dma_wait3A_105] : memref<512x32xf32, #tpu.memory_space<vmem>> -> memref<128x32xf32, #tpu.memory_space<vmem>>
    %dma_wait3A_107 = arith.constant 0 : i32
    %dma_wait3A_108 = tpu.memref_slice %arg6[%dma_wait3A_103, %dma_wait3A_107] : memref<4x128xi32, #tpu.memory_space<vmem>> -> memref<1x128xi32, #tpu.memory_space<vmem>>
    %dma_wait3A_109 = tpu.memref_squeeze %dma_wait3A_108 : memref<1x128xi32, #tpu.memory_space<vmem>> -> memref<128xi32, #tpu.memory_space<vmem>>
    %dma_wait3A_110 = arith.constant 0 : i32
    %dma_wait3A_111 = arith.constant 0 : i32
    %dma_wait3A_112 = tpu.memref_slice %arg2[%dma_wait3A_110, %dma_wait3A_111] : memref<100352x32xf32, #tpu.memory_space<hbm>> -> memref<100352x32xf32, #tpu.memory_space<hbm>>
    tpu.wait_indirect_dma semaphore(%arg9 : memref<!tpu.dma_semaphore, #tpu.memory_space<semaphore_mem>>) src(%dma_wait3A_112 : memref<100352x32xf32, #tpu.memory_space<hbm>>) dst(%dma_wait3A_106 : memref<128x32xf32, #tpu.memory_space<vmem>>)
    %dma_start3A_113 = arith.constant 3 : i32
    %dma_start3A_114 = arith.constant 384 : i32
    %dma_start3A_115 = arith.constant 0 : i32
    %dma_start3A_116 = tpu.memref_slice %arg8[%dma_start3A_114, %dma_start3A_115] : memref<512x32xf32, #tpu.memory_space<vmem>> -> memref<128x32xf32, #tpu.memory_space<vmem>>
    %dma_start3A_117 = arith.constant 0 : i32
    %dma_start3A_118 = tpu.memref_slice %arg7[%dma_start3A_113, %dma_start3A_117] : memref<4x128xi32, #tpu.memory_space<vmem>> -> memref<1x128xi32, #tpu.memory_space<vmem>>
    %dma_start3A_119 = tpu.memref_squeeze %dma_start3A_118 : memref<1x128xi32, #tpu.memory_space<vmem>> -> memref<128xi32, #tpu.memory_space<vmem>>
    %dma_start3A_120 = arith.constant 0 : i32
    %dma_start3A_121 = arith.constant 0 : i32
    %dma_start3A_122 = tpu.memref_slice %arg5[%dma_start3A_120, %dma_start3A_121] : memref<16384x32xf32, #tpu.memory_space<hbm>> -> memref<16384x32xf32, #tpu.memory_space<hbm>>
    tpu.enqueue_indirect_dma source(%dma_start3A_116 : memref<128x32xf32, #tpu.memory_space<vmem>>) target(%dma_start3A_122 : memref<16384x32xf32, #tpu.memory_space<hbm>>) offsets(%dma_start3A_119 : memref<128xi32, #tpu.memory_space<vmem>>) semaphore(%arg10 : memref<!tpu.dma_semaphore, #tpu.memory_space<semaphore_mem>>)
    %dma_wait3A_123 = arith.constant 0 : i32
    %dma_wait3A_124 = arith.constant 0 : i32
    %dma_wait3A_125 = arith.constant 0 : i32
    %dma_wait3A_126 = tpu.memref_slice %arg8[%dma_wait3A_124, %dma_wait3A_125] : memref<512x32xf32, #tpu.memory_space<vmem>> -> memref<128x32xf32, #tpu.memory_space<vmem>>
    %dma_wait3A_127 = arith.constant 0 : i32
    %dma_wait3A_128 = tpu.memref_slice %arg7[%dma_wait3A_123, %dma_wait3A_127] : memref<4x128xi32, #tpu.memory_space<vmem>> -> memref<1x128xi32, #tpu.memory_space<vmem>>
    %dma_wait3A_129 = tpu.memref_squeeze %dma_wait3A_128 : memref<1x128xi32, #tpu.memory_space<vmem>> -> memref<128xi32, #tpu.memory_space<vmem>>
    %dma_wait3A_130 = arith.constant 0 : i32
    %dma_wait3A_131 = arith.constant 0 : i32
    %dma_wait3A_132 = tpu.memref_slice %arg5[%dma_wait3A_130, %dma_wait3A_131] : memref<16384x32xf32, #tpu.memory_space<hbm>> -> memref<16384x32xf32, #tpu.memory_space<hbm>>
    tpu.wait_indirect_dma semaphore(%arg10 : memref<!tpu.dma_semaphore, #tpu.memory_space<semaphore_mem>>) src(%dma_wait3A_126 : memref<128x32xf32, #tpu.memory_space<vmem>>) dst(%dma_wait3A_132 : memref<16384x32xf32, #tpu.memory_space<hbm>>)
    %dma_wait3A_133 = arith.constant 1 : i32
    %dma_wait3A_134 = arith.constant 128 : i32
    %dma_wait3A_135 = arith.constant 0 : i32
    %dma_wait3A_136 = tpu.memref_slice %arg8[%dma_wait3A_134, %dma_wait3A_135] : memref<512x32xf32, #tpu.memory_space<vmem>> -> memref<128x32xf32, #tpu.memory_space<vmem>>
    %dma_wait3A_137 = arith.constant 0 : i32
    %dma_wait3A_138 = tpu.memref_slice %arg7[%dma_wait3A_133, %dma_wait3A_137] : memref<4x128xi32, #tpu.memory_space<vmem>> -> memref<1x128xi32, #tpu.memory_space<vmem>>
    %dma_wait3A_139 = tpu.memref_squeeze %dma_wait3A_138 : memref<1x128xi32, #tpu.memory_space<vmem>> -> memref<128xi32, #tpu.memory_space<vmem>>
    %dma_wait3A_140 = arith.constant 0 : i32
    %dma_wait3A_141 = arith.constant 0 : i32
    %dma_wait3A_142 = tpu.memref_slice %arg5[%dma_wait3A_140, %dma_wait3A_141] : memref<16384x32xf32, #tpu.memory_space<hbm>> -> memref<16384x32xf32, #tpu.memory_space<hbm>>
    tpu.wait_indirect_dma semaphore(%arg10 : memref<!tpu.dma_semaphore, #tpu.memory_space<semaphore_mem>>) src(%dma_wait3A_136 : memref<128x32xf32, #tpu.memory_space<vmem>>) dst(%dma_wait3A_142 : memref<16384x32xf32, #tpu.memory_space<hbm>>)
    %dma_wait3A_143 = arith.constant 2 : i32
    %dma_wait3A_144 = arith.constant 256 : i32
    %dma_wait3A_145 = arith.constant 0 : i32
    %dma_wait3A_146 = tpu.memref_slice %arg8[%dma_wait3A_144, %dma_wait3A_145] : memref<512x32xf32, #tpu.memory_space<vmem>> -> memref<128x32xf32, #tpu.memory_space<vmem>>
    %dma_wait3A_147 = arith.constant 0 : i32
    %dma_wait3A_148 = tpu.memref_slice %arg7[%dma_wait3A_143, %dma_wait3A_147] : memref<4x128xi32, #tpu.memory_space<vmem>> -> memref<1x128xi32, #tpu.memory_space<vmem>>
    %dma_wait3A_149 = tpu.memref_squeeze %dma_wait3A_148 : memref<1x128xi32, #tpu.memory_space<vmem>> -> memref<128xi32, #tpu.memory_space<vmem>>
    %dma_wait3A_150 = arith.constant 0 : i32
    %dma_wait3A_151 = arith.constant 0 : i32
    %dma_wait3A_152 = tpu.memref_slice %arg5[%dma_wait3A_150, %dma_wait3A_151] : memref<16384x32xf32, #tpu.memory_space<hbm>> -> memref<16384x32xf32, #tpu.memory_space<hbm>>
    tpu.wait_indirect_dma semaphore(%arg10 : memref<!tpu.dma_semaphore, #tpu.memory_space<semaphore_mem>>) src(%dma_wait3A_146 : memref<128x32xf32, #tpu.memory_space<vmem>>) dst(%dma_wait3A_152 : memref<16384x32xf32, #tpu.memory_space<hbm>>)
    %dma_wait3A_153 = arith.constant 3 : i32
    %dma_wait3A_154 = arith.constant 384 : i32
    %dma_wait3A_155 = arith.constant 0 : i32
    %dma_wait3A_156 = tpu.memref_slice %arg8[%dma_wait3A_154, %dma_wait3A_155] : memref<512x32xf32, #tpu.memory_space<vmem>> -> memref<128x32xf32, #tpu.memory_space<vmem>>
    %dma_wait3A_157 = arith.constant 0 : i32
    %dma_wait3A_158 = tpu.memref_slice %arg7[%dma_wait3A_153, %dma_wait3A_157] : memref<4x128xi32, #tpu.memory_space<vmem>> -> memref<1x128xi32, #tpu.memory_space<vmem>>
    %dma_wait3A_159 = tpu.memref_squeeze %dma_wait3A_158 : memref<1x128xi32, #tpu.memory_space<vmem>> -> memref<128xi32, #tpu.memory_space<vmem>>
    %dma_wait3A_160 = arith.constant 0 : i32
    %dma_wait3A_161 = arith.constant 0 : i32
    %dma_wait3A_162 = tpu.memref_slice %arg5[%dma_wait3A_160, %dma_wait3A_161] : memref<16384x32xf32, #tpu.memory_space<hbm>> -> memref<16384x32xf32, #tpu.memory_space<hbm>>
    tpu.wait_indirect_dma semaphore(%arg10 : memref<!tpu.dma_semaphore, #tpu.memory_space<semaphore_mem>>) src(%dma_wait3A_156 : memref<128x32xf32, #tpu.memory_space<vmem>>) dst(%dma_wait3A_162 : memref<16384x32xf32, #tpu.memory_space<hbm>>)
    return
  }
}

module attributes {stable_mosaic.version = 14 : i64} {
  func.func @_finish_body(%arg0: i32, %arg1: memref<4096x128xf32, #tpu.memory_space<vmem>>, %arg2: memref<64x16384xf32, #tpu.memory_space<vmem>>, %arg3: memref<32x64xf32, #tpu.memory_space<vmem>>, %arg4: memref<32x1xf32, #tpu.memory_space<vmem>>, %arg5: memref<32x16384xf32, #tpu.memory_space<vmem>>) attributes {dimension_semantics = [#tpu.dimension_semantics<arbitrary>], iteration_bounds = array<i64: 1>, scalar_prefetch = 0 : i64, scratch_operands = 0 : i64, tpu.core_type = #tpu.core_type<tc>, window_params = [{pipeline_mode = #tpu.pipeline_mode<synchronous>, transform_indices = @transform_0, window_bounds = array<i64: 4096, 128>}, {pipeline_mode = #tpu.pipeline_mode<synchronous>, transform_indices = @transform_1, window_bounds = array<i64: 64, 16384>}, {pipeline_mode = #tpu.pipeline_mode<synchronous>, transform_indices = @transform_2, window_bounds = array<i64: 32, 64>}, {pipeline_mode = #tpu.pipeline_mode<synchronous>, transform_indices = @transform_3, window_bounds = array<i64: 32, 1>}, {pipeline_mode = #tpu.pipeline_mode<synchronous>, transform_indices = @transform_4, window_bounds = array<i64: 32, 16384>}]} {
    %get3A = arith.constant 0 : index
    %get3A_0 = arith.constant 0 : index
    %get3A_1 = vector.load %arg3[%get3A, %get3A_0] : memref<32x64xf32, #tpu.memory_space<vmem>>, vector<32x64xf32>
    %get3A_2 = arith.constant 0 : index
    %get3A_3 = arith.constant 0 : index
    %get3A_4 = vector.load %arg2[%get3A_2, %get3A_3] : memref<64x16384xf32, #tpu.memory_space<vmem>>, vector<64x16384xf32>
    %dot_general3A = arith.constant dense<0.000000e+00> : vector<32x16384xf32>
    %dot_general3A_5 = tpu.matmul %get3A_1, %get3A_4, %dot_general3A {dimension_numbers = #tpu.dot_dimension_numbers<[1], [0], [0], [1], [0, 0, 1, 1], [], []>, transpose_lhs_hint = false} : vector<32x64xf32>, vector<64x16384xf32>, vector<32x16384xf32> -> vector<32x16384xf32>
    %get3A_6 = arith.constant 0 : index
    %get3A_7 = arith.constant 0 : index
    %get3A_8 = vector.load %arg4[%get3A_6, %get3A_7] : memref<32x1xf32, #tpu.memory_space<vmem>>, vector<32x1xf32>
    %iota3A = tpu.iota {dimensions = array<i32: 0>} : vector<32x32xi32>
    %iota3A_9 = tpu.iota {dimensions = array<i32: 1>} : vector<32x32xi32>
    %add3A = arith.constant 0 : i32
    %add3A_10 = vector.broadcast %add3A : i32 to vector<32x32xi32>
    %add3A_11 = arith.addi %iota3A, %add3A_10 : vector<32x32xi32>
    %eq3A = arith.cmpi eq, %add3A_11, %iota3A_9 : vector<32x32xi32>
    %convert_element_type3A = arith.extui %eq3A : vector<32x32xi1> to vector<32x32xi32>
    %convert_element_type3A_12 = arith.sitofp %convert_element_type3A : vector<32x32xi32> to vector<32x32xf32>
    %get3A_13 = arith.constant 0 : index
    %get3A_14 = arith.constant 0 : index
    %get3A_15 = vector.load %arg1[%get3A_13, %get3A_14] : memref<4096x128xf32, #tpu.memory_space<vmem>>, vector<4096x32xf32>
    %dot_general3A_16 = arith.constant dense<0.000000e+00> : vector<32x4096xf32>
    %dot_general3A_17 = tpu.matmul %convert_element_type3A_12, %get3A_15, %dot_general3A_16 {dimension_numbers = #tpu.dot_dimension_numbers<[1], [1], [0], [0], [0, 0, 1, 0], [], []>, transpose_lhs_hint = false} : vector<32x32xf32>, vector<4096x32xf32>, vector<32x4096xf32> -> vector<32x4096xf32>
    %slice3A = vector.extract_strided_slice %dot_general3A_5 {offsets = [0, 0], sizes = [32, 4096], strides = [1, 1]} : vector<32x16384xf32> to vector<32x4096xf32>
    %add3A_18 = arith.addf %dot_general3A_17, %slice3A : vector<32x4096xf32>
    %add3A_19 = vector.broadcast %get3A_8 : vector<32x1xf32> to vector<32x4096xf32>
    %add3A_20 = arith.addf %add3A_18, %add3A_19 : vector<32x4096xf32>
    %max3A = arith.constant 0.000000e+00 : f32
    %max3A_21 = vector.broadcast %max3A : f32 to vector<32x4096xf32>
    %max3A_22 = arith.maximumf %add3A_20, %max3A_21 : vector<32x4096xf32>
    %swap3A = arith.constant 0 : index
    %swap3A_23 = arith.constant 0 : index
    %swap3A_24 = vector.load %arg5[%swap3A, %swap3A_23] : memref<32x16384xf32, #tpu.memory_space<vmem>>, vector<32x4096xf32>
    tpu.vector_store %arg5[%swap3A, %swap3A_23], %max3A_22 {strides = array<i32>} : memref<32x16384xf32, #tpu.memory_space<vmem>>, vector<32x4096xf32>,
    %get3A_25 = arith.constant 0 : index
    %get3A_26 = arith.constant 32 : index
    %get3A_27 = vector.load %arg1[%get3A_25, %get3A_26] : memref<4096x128xf32, #tpu.memory_space<vmem>>, vector<4096x32xf32>
    %dot_general3A_28 = arith.constant dense<0.000000e+00> : vector<32x4096xf32>
    %dot_general3A_29 = tpu.matmul %convert_element_type3A_12, %get3A_27, %dot_general3A_28 {dimension_numbers = #tpu.dot_dimension_numbers<[1], [1], [0], [0], [0, 0, 1, 0], [], []>, transpose_lhs_hint = false} : vector<32x32xf32>, vector<4096x32xf32>, vector<32x4096xf32> -> vector<32x4096xf32>
    %slice3A_30 = vector.extract_strided_slice %dot_general3A_5 {offsets = [0, 4096], sizes = [32, 4096], strides = [1, 1]} : vector<32x16384xf32> to vector<32x4096xf32>
    %add3A_31 = arith.addf %dot_general3A_29, %slice3A_30 : vector<32x4096xf32>
    %add3A_32 = vector.broadcast %get3A_8 : vector<32x1xf32> to vector<32x4096xf32>
    %add3A_33 = arith.addf %add3A_31, %add3A_32 : vector<32x4096xf32>
    %max3A_34 = arith.constant 0.000000e+00 : f32
    %max3A_35 = vector.broadcast %max3A_34 : f32 to vector<32x4096xf32>
    %max3A_36 = arith.maximumf %add3A_33, %max3A_35 : vector<32x4096xf32>
    %swap3A_37 = arith.constant 0 : index
    %swap3A_38 = arith.constant 4096 : index
    %swap3A_39 = vector.load %arg5[%swap3A_37, %swap3A_38] : memref<32x16384xf32, #tpu.memory_space<vmem>>, vector<32x4096xf32>
    tpu.vector_store %arg5[%swap3A_37, %swap3A_38], %max3A_36 {strides = array<i32>} : memref<32x16384xf32, #tpu.memory_space<vmem>>, vector<32x4096xf32>,
    %get3A_40 = arith.constant 0 : index
    %get3A_41 = arith.constant 64 : index
    %get3A_42 = vector.load %arg1[%get3A_40, %get3A_41] : memref<4096x128xf32, #tpu.memory_space<vmem>>, vector<4096x32xf32>
    %dot_general3A_43 = arith.constant dense<0.000000e+00> : vector<32x4096xf32>
    %dot_general3A_44 = tpu.matmul %convert_element_type3A_12, %get3A_42, %dot_general3A_43 {dimension_numbers = #tpu.dot_dimension_numbers<[1], [1], [0], [0], [0, 0, 1, 0], [], []>, transpose_lhs_hint = false} : vector<32x32xf32>, vector<4096x32xf32>, vector<32x4096xf32> -> vector<32x4096xf32>
    %slice3A_45 = vector.extract_strided_slice %dot_general3A_5 {offsets = [0, 8192], sizes = [32, 4096], strides = [1, 1]} : vector<32x16384xf32> to vector<32x4096xf32>
    %add3A_46 = arith.addf %dot_general3A_44, %slice3A_45 : vector<32x4096xf32>
    %add3A_47 = vector.broadcast %get3A_8 : vector<32x1xf32> to vector<32x4096xf32>
    %add3A_48 = arith.addf %add3A_46, %add3A_47 : vector<32x4096xf32>
    %max3A_49 = arith.constant 0.000000e+00 : f32
    %max3A_50 = vector.broadcast %max3A_49 : f32 to vector<32x4096xf32>
    %max3A_51 = arith.maximumf %add3A_48, %max3A_50 : vector<32x4096xf32>
    %swap3A_52 = arith.constant 0 : index
    %swap3A_53 = arith.constant 8192 : index
    %swap3A_54 = vector.load %arg5[%swap3A_52, %swap3A_53] : memref<32x16384xf32, #tpu.memory_space<vmem>>, vector<32x4096xf32>
    tpu.vector_store %arg5[%swap3A_52, %swap3A_53], %max3A_51 {strides = array<i32>} : memref<32x16384xf32, #tpu.memory_space<vmem>>, vector<32x4096xf32>,
    %get3A_55 = arith.constant 0 : index
    %get3A_56 = arith.constant 96 : index
    %get3A_57 = vector.load %arg1[%get3A_55, %get3A_56] : memref<4096x128xf32, #tpu.memory_space<vmem>>, vector<4096x32xf32>
    %dot_general3A_58 = arith.constant dense<0.000000e+00> : vector<32x4096xf32>
    %dot_general3A_59 = tpu.matmul %convert_element_type3A_12, %get3A_57, %dot_general3A_58 {dimension_numbers = #tpu.dot_dimension_numbers<[1], [1], [0], [0], [0, 0, 1, 0], [], []>, transpose_lhs_hint = false} : vector<32x32xf32>, vector<4096x32xf32>, vector<32x4096xf32> -> vector<32x4096xf32>
    %slice3A_60 = vector.extract_strided_slice %dot_general3A_5 {offsets = [0, 12288], sizes = [32, 4096], strides = [1, 1]} : vector<32x16384xf32> to vector<32x4096xf32>
    %add3A_61 = arith.addf %dot_general3A_59, %slice3A_60 : vector<32x4096xf32>
    %add3A_62 = vector.broadcast %get3A_8 : vector<32x1xf32> to vector<32x4096xf32>
    %add3A_63 = arith.addf %add3A_61, %add3A_62 : vector<32x4096xf32>
    %max3A_64 = arith.constant 0.000000e+00 : f32
    %max3A_65 = vector.broadcast %max3A_64 : f32 to vector<32x4096xf32>
    %max3A_66 = arith.maximumf %add3A_63, %max3A_65 : vector<32x4096xf32>
    %swap3A_67 = arith.constant 0 : index
    %swap3A_68 = arith.constant 12288 : index
    %swap3A_69 = vector.load %arg5[%swap3A_67, %swap3A_68] : memref<32x16384xf32, #tpu.memory_space<vmem>>, vector<32x4096xf32>
    tpu.vector_store %arg5[%swap3A_67, %swap3A_68], %max3A_66 {strides = array<i32>} : memref<32x16384xf32, #tpu.memory_space<vmem>>, vector<32x4096xf32>,
    return
  }
  func.func @transform_0(%arg0: i32) -> (i32, i32) {
    %c0_i32 = arith.constant 0 : i32
    %c0_i32_0 = arith.constant 0 : i32
    %c0_i32_1 = arith.constant 0 : i32
    return %c0_i32, %c0_i32_0 : i32, i32
  }
  func.func @transform_1(%arg0: i32) -> (i32, i32) {
    %c0_i32 = arith.constant 0 : i32
    %c0_i32_0 = arith.constant 0 : i32
    %c0_i32_1 = arith.constant 0 : i32
    return %c0_i32, %c0_i32_0 : i32, i32
  }
  func.func @transform_2(%arg0: i32) -> (i32, i32) {
    %c0_i32 = arith.constant 0 : i32
    %c0_i32_0 = arith.constant 0 : i32
    %c0_i32_1 = arith.constant 0 : i32
    return %c0_i32, %c0_i32_0 : i32, i32
  }
  func.func @transform_3(%arg0: i32) -> (i32, i32) {
    %c0_i32 = arith.constant 0 : i32
    %c0_i32_0 = arith.constant 0 : i32
    %c0_i32_1 = arith.constant 0 : i32
    return %c0_i32, %c0_i32_0 : i32, i32
  }
  func.func @transform_4(%arg0: i32) -> (i32, i32) {
    %c0_i32 = arith.constant 0 : i32
    %c0_i32_0 = arith.constant 0 : i32
    %c0_i32_1 = arith.constant 0 : i32
    return %c0_i32, %c0_i32_0 : i32, i32
  }
}

module attributes {stable_mosaic.version = 14 : i64} {
  func.func @_premul_body(%arg0: i32, %arg1: memref<64x6272xf32, #tpu.memory_space<vmem>>, %arg2: memref<64x6272xf32, #tpu.memory_space<vmem>>, %arg3: memref<64x6272xf32, #tpu.memory_space<vmem>>, %arg4: memref<64x6272xf32, #tpu.memory_space<vmem>>, %arg5: memref<32x64xf32, #tpu.memory_space<vmem>>, %arg6: memref<25088x128xf32, #tpu.memory_space<hbm>>, %arg7: memref<2x6272x128xf32, #tpu.memory_space<vmem>>, %arg8: memref<!tpu.dma_semaphore, #tpu.memory_space<semaphore_mem>>) attributes {dimension_semantics = [#tpu.dimension_semantics<arbitrary>], iteration_bounds = array<i64: 4>, scalar_prefetch = 0 : i64, scratch_operands = 2 : i64, tpu.core_type = #tpu.core_type<tc>, window_params = [{transform_indices = @transform_0, window_bounds = array<i64: 64, 6272>}, {transform_indices = @transform_1, window_bounds = array<i64: 64, 6272>}, {transform_indices = @transform_2, window_bounds = array<i64: 64, 6272>}, {transform_indices = @transform_3, window_bounds = array<i64: 64, 6272>}, {pipeline_mode = #tpu.pipeline_mode<synchronous>, transform_indices = @transform_4, window_bounds = array<i64: 32, 64>}, {}]} {
    %get3A = arith.constant 0 : index
    %get3A_0 = arith.constant 0 : index
    %get3A_1 = vector.load %arg5[%get3A, %get3A_0] : memref<32x64xf32, #tpu.memory_space<vmem>>, vector<32x64xf32>
    %get3A_2 = arith.constant 0 : index
    %get3A_3 = arith.constant 0 : index
    %get3A_4 = vector.load %arg1[%get3A_2, %get3A_3] : memref<64x6272xf32, #tpu.memory_space<vmem>>, vector<64x6272xf32>
    %dot_general3A = arith.constant dense<0.000000e+00> : vector<32x6272xf32>
    %dot_general3A_5 = tpu.matmul %get3A_1, %get3A_4, %dot_general3A {dimension_numbers = #tpu.dot_dimension_numbers<[1], [0], [0], [1], [0, 0, 1, 1], [], []>, transpose_lhs_hint = false} : vector<32x64xf32>, vector<64x6272xf32>, vector<32x6272xf32> -> vector<32x6272xf32>
    %get3A_6 = arith.constant 0 : index
    %get3A_7 = arith.constant 0 : index
    %get3A_8 = vector.load %arg2[%get3A_6, %get3A_7] : memref<64x6272xf32, #tpu.memory_space<vmem>>, vector<64x6272xf32>
    %dot_general3A_9 = arith.constant dense<0.000000e+00> : vector<32x6272xf32>
    %dot_general3A_10 = tpu.matmul %get3A_1, %get3A_8, %dot_general3A_9 {dimension_numbers = #tpu.dot_dimension_numbers<[1], [0], [0], [1], [0, 0, 1, 1], [], []>, transpose_lhs_hint = false} : vector<32x64xf32>, vector<64x6272xf32>, vector<32x6272xf32> -> vector<32x6272xf32>
    %get3A_11 = arith.constant 0 : index
    %get3A_12 = arith.constant 0 : index
    %get3A_13 = vector.load %arg3[%get3A_11, %get3A_12] : memref<64x6272xf32, #tpu.memory_space<vmem>>, vector<64x6272xf32>
    %dot_general3A_14 = arith.constant dense<0.000000e+00> : vector<32x6272xf32>
    %dot_general3A_15 = tpu.matmul %get3A_1, %get3A_13, %dot_general3A_14 {dimension_numbers = #tpu.dot_dimension_numbers<[1], [0], [0], [1], [0, 0, 1, 1], [], []>, transpose_lhs_hint = false} : vector<32x64xf32>, vector<64x6272xf32>, vector<32x6272xf32> -> vector<32x6272xf32>
    %get3A_16 = arith.constant 0 : index
    %get3A_17 = arith.constant 0 : index
    %get3A_18 = vector.load %arg4[%get3A_16, %get3A_17] : memref<64x6272xf32, #tpu.memory_space<vmem>>, vector<64x6272xf32>
    %dot_general3A_19 = arith.constant dense<0.000000e+00> : vector<32x6272xf32>
    %dot_general3A_20 = tpu.matmul %get3A_1, %get3A_18, %dot_general3A_19 {dimension_numbers = #tpu.dot_dimension_numbers<[1], [0], [0], [1], [0, 0, 1, 1], [], []>, transpose_lhs_hint = false} : vector<32x64xf32>, vector<64x6272xf32>, vector<32x6272xf32> -> vector<32x6272xf32>
    %concatenate3A = tpu.concatenate %dot_general3A_5, %dot_general3A_10, %dot_general3A_15, %dot_general3A_20 in 0 : vector<32x6272xf32>, vector<32x6272xf32>, vector<32x6272xf32>, vector<32x6272xf32> -> vector<128x6272xf32>
    %rem3A = arith.constant 2 : i32
    %rem3A_21 = arith.remsi %arg0, %rem3A : i32
    %add3A = arith.constant 1 : i32
    %add3A_22 = arith.addi %arg0, %add3A : i32
    %rem3A_23 = arith.constant 2 : i32
    %rem3A_24 = arith.remsi %add3A_22, %rem3A_23 : i32
    %gt3A = arith.constant 0 : i32
    %gt3A_25 = arith.cmpi sgt, %arg0, %gt3A : i32
    %convert_element_type3A = arith.extui %gt3A_25 : i1 to i32
    %cond3A = arith.constant 0 : i32
    %cond3A_26 = arith.cmpi ne, %convert_element_type3A, %cond3A : i32
    scf.if %cond3A_26 {
      %sub3A = arith.constant 1 : i32
      %sub3A_42 = arith.subi %arg0, %sub3A : i32
      %mul3A_43 = arith.constant 6272 : i32
      %mul3A_44 = arith.muli %sub3A_42, %mul3A_43 : i32
      %dma_wait3A = arith.constant 0 : i32
      %dma_wait3A_45 = tpu.memref_slice %arg6[%mul3A_44, %dma_wait3A] : memref<25088x128xf32, #tpu.memory_space<hbm>> -> memref<6272x128xf32, #tpu.memory_space<hbm>>
      %dma_wait3A_46 = arith.constant 0 : i32
      %dma_wait3A_47 = arith.constant 0 : i32
      %dma_wait3A_48 = tpu.memref_slice %arg7[%rem3A_24, %dma_wait3A_46, %dma_wait3A_47] : memref<2x6272x128xf32, #tpu.memory_space<vmem>> -> memref<1x6272x128xf32, #tpu.memory_space<vmem>>
      %dma_wait3A_49 = tpu.memref_squeeze %dma_wait3A_48 : memref<1x6272x128xf32, #tpu.memory_space<vmem>> -> memref<6272x128xf32, #tpu.memory_space<vmem>>
      tpu.wait_dma2 semaphore(%arg8 : memref<!tpu.dma_semaphore, #tpu.memory_space<semaphore_mem>>) src(%dma_wait3A_49 : memref<6272x128xf32, #tpu.memory_space<vmem>>) dst(%dma_wait3A_45 : memref<6272x128xf32, #tpu.memory_space<hbm>>)
    } else {
    }
    %transpose3A = tpu.transpose %concatenate3A, [1, 0] : vector<128x6272xf32> -> vector<6272x128xf32>
    %swap3A = arith.index_cast %rem3A_21 : i32 to index
    %swap3A_27 = arith.constant 0 : index
    %swap3A_28 = arith.constant 0 : index
    %swap3A_29 = vector.load %arg7[%swap3A, %swap3A_27, %swap3A_28] : memref<2x6272x128xf32, #tpu.memory_space<vmem>>, vector<1x6272x128xf32>
    %swap3A_30 = vector.shape_cast %swap3A_29 : vector<1x6272x128xf32> to vector<6272x128xf32>
    %swap3A_31 = vector.shape_cast %transpose3A : vector<6272x128xf32> to vector<1x6272x128xf32>
    tpu.vector_store %arg7[%swap3A, %swap3A_27, %swap3A_28], %swap3A_31 {strides = array<i32>} : memref<2x6272x128xf32, #tpu.memory_space<vmem>>, vector<1x6272x128xf32>,
    %mul3A = arith.constant 6272 : i32
    %mul3A_32 = arith.muli %arg0, %mul3A : i32
    %dma_start3A = arith.constant 0 : i32
    %dma_start3A_33 = tpu.memref_slice %arg6[%mul3A_32, %dma_start3A] : memref<25088x128xf32, #tpu.memory_space<hbm>> -> memref<6272x128xf32, #tpu.memory_space<hbm>>
    %dma_start3A_34 = arith.constant 0 : i32
    %dma_start3A_35 = arith.constant 0 : i32
    %dma_start3A_36 = tpu.memref_slice %arg7[%rem3A_21, %dma_start3A_34, %dma_start3A_35] : memref<2x6272x128xf32, #tpu.memory_space<vmem>> -> memref<1x6272x128xf32, #tpu.memory_space<vmem>>
    %dma_start3A_37 = tpu.memref_squeeze %dma_start3A_36 : memref<1x6272x128xf32, #tpu.memory_space<vmem>> -> memref<6272x128xf32, #tpu.memory_space<vmem>>
    tpu.enqueue_dma source(%dma_start3A_37 : memref<6272x128xf32, #tpu.memory_space<vmem>>) target(%dma_start3A_33 : memref<6272x128xf32, #tpu.memory_space<hbm>>) target_semaphore(%arg8 : memref<!tpu.dma_semaphore, #tpu.memory_space<semaphore_mem>>)
    %eq3A = arith.constant 3 : i32
    %eq3A_38 = arith.cmpi eq, %arg0, %eq3A : i32
    %convert_element_type3A_39 = arith.extui %eq3A_38 : i1 to i32
    %cond3A_40 = arith.constant 0 : i32
    %cond3A_41 = arith.cmpi ne, %convert_element_type3A_39, %cond3A_40 : i32
    scf.if %cond3A_41 {
      %dma_wait3A = arith.constant 0 : i32
      %dma_wait3A_42 = tpu.memref_slice %arg6[%mul3A_32, %dma_wait3A] : memref<25088x128xf32, #tpu.memory_space<hbm>> -> memref<6272x128xf32, #tpu.memory_space<hbm>>
      %dma_wait3A_43 = arith.constant 0 : i32
      %dma_wait3A_44 = arith.constant 0 : i32
      %dma_wait3A_45 = tpu.memref_slice %arg7[%rem3A_21, %dma_wait3A_43, %dma_wait3A_44] : memref<2x6272x128xf32, #tpu.memory_space<vmem>> -> memref<1x6272x128xf32, #tpu.memory_space<vmem>>
      %dma_wait3A_46 = tpu.memref_squeeze %dma_wait3A_45 : memref<1x6272x128xf32, #tpu.memory_space<vmem>> -> memref<6272x128xf32, #tpu.memory_space<vmem>>
      tpu.wait_dma2 semaphore(%arg8 : memref<!tpu.dma_semaphore, #tpu.memory_space<semaphore_mem>>) src(%dma_wait3A_46 : memref<6272x128xf32, #tpu.memory_space<vmem>>) dst(%dma_wait3A_42 : memref<6272x128xf32, #tpu.memory_space<hbm>>)
    } else {
    }
    return
  }
  func.func @transform_0(%arg0: i32) -> (i32, i32) {
    %add3A = arith.constant 0 : i32
    %add3A_0 = arith.addi %add3A, %arg0 : i32
    %c0_i32 = arith.constant 0 : i32
    %c0_i32_1 = arith.constant 0 : i32
    return %c0_i32, %add3A_0 : i32, i32
  }
  func.func @transform_1(%arg0: i32) -> (i32, i32) {
    %add3A = arith.constant 4 : i32
    %add3A_0 = arith.addi %add3A, %arg0 : i32
    %c0_i32 = arith.constant 0 : i32
    %c0_i32_1 = arith.constant 0 : i32
    return %c0_i32, %add3A_0 : i32, i32
  }
  func.func @transform_2(%arg0: i32) -> (i32, i32) {
    %add3A = arith.constant 8 : i32
    %add3A_0 = arith.addi %add3A, %arg0 : i32
    %c0_i32 = arith.constant 0 : i32
    %c0_i32_1 = arith.constant 0 : i32
    return %c0_i32, %add3A_0 : i32, i32
  }
  func.func @transform_3(%arg0: i32) -> (i32, i32) {
    %add3A = arith.constant 12 : i32
    %add3A_0 = arith.addi %add3A, %arg0 : i32
    %c0_i32 = arith.constant 0 : i32
    %c0_i32_1 = arith.constant 0 : i32
    return %c0_i32, %add3A_0 : i32, i32
  }
  func.func @transform_4(%arg0: i32) -> (i32, i32) {
    %c0_i32 = arith.constant 0 : i32
    %c0_i32_0 = arith.constant 0 : i32
    %c0_i32_1 = arith.constant 0 : i32
    return %c0_i32, %c0_i32_0 : i32, i32
  }
}

</mosaic_0001>

<sc_bundles>
// kernel: kernel.5.cloned.1.call-start
scs
__scs_entry_jumppad:
0x0: {  	(pc) =	sbr.rel $0x88, $3  }
0x1: {  	(tag) =	ssettag $0x0;
	lr =	simm.s32 $0x1  }
0x2: {  	[smem:$0x3F9C] =	sst lr;
	_ =	strace $0xD0000000  }
0x3: {  	_ = 	snop  }
0x4: {  	_ = 	snop  }
0x5: {  	_ = 	snop  }
0x6: {  	_ = 	snop  }
0x7: {  	_ = 	snop  }
__scs_overlays_trampoline_lowered:
0x8: {  	[smem:$0x3FAB] =	sst s0  }
0x9: {  	[smem:$0x3FAC] =	sst s1  }
0xa: {  	[smem:$0x3FAD] =	sst s2  }
0xb: {  	[smem:$0x3FAE] =	sst s3  }
0xc: {  	[smem:$0x3FAF] =	sst s4  }
0xd: {  	[smem:$0x3FB0] =	sst s5  }
0xe: {  	[smem:$0x3FB1] =	sst s6  }
0xf: {  	[smem:$0x3FB2] =	sst s7  }
0x10: {  	[smem:$0x3FB3] =	sst s8  }
0x11: {  	[smem:$0x3FB4] =	sst s9;
	s0 =	simm.s32 @!p0 $0x0  }
0x12: {  	s1 =	sld [smem:$0x3F9A];
	s0 =	simm.s32 @p0 $0x1  }
0x13: {  	[smem:$0x3FB5] =	sst s0;
	s0 =	simm.s32 @!p1 $0x0  }
0x14: {  	s2 =	sld [smem:$0x3F99];
	s0 =	simm.s32 @p1 $0x1  }
0x15: {  	[smem:$0x3FB6] =	sst s0;
	s0 =	simm.s32 @!p2 $0x0  }
0x16: {  	s3 =	sld [smem:$0x3FDB];
	s0 =	simm.s32 @p2 $0x1  }
0x17: {  	s4 =	simm.s32 $0x1BF5;
	[smem:$0x3FB8] =	sst s0  }
0x18: {  	s0 =	sld [smem:$0x3F9B];
	_ =	swait.ge [sflag:s4], $0x0  }
0x19: {  	s7 =	sld [smem:$0x3F9C]  }
0x1a: {  	s8 =	sadd.s32 $0xFFFFE003, lr  }
0x1b: {  	s9 =	sadd.s32 $0xFFFFFEF7, lr;
	s5 =	simm.s32 $0xFFFFFFFF;
	p2 =	slt.u32 s8, $0xFFFFF086  }
0x1c: {  	p1 =	slt.u32 s9, $0xF7A;
	s5 =	simm.s32 @!p2 $0x0  }
0x1d: {  	s5 =	simm.s32 @p1 $0x1;
	p0 =	seq.s32 s7, s2  }
0x1e: {  	s7 =	smul.u32 @!p0 $0xF7A, s2;
	p2 =	seq.s32 @!p0 s5, $0x0  }
0x1f: {  	s9 =	smul.u32 $0xF7A, s1;
	s8 =	simm.s32 @!p0 $0x1BF5;
	p2 =	por !p2, p0  }
0x20: {  	[sflag:s8] =	ssyncset.s32 @!p0 $0xFFFFF086;
	s6 =	sadd.s32 @!p0 s3, s7;
	s7 =	simm.s32 @!p0 $0x108  }
0x21: {  	s3 =	sadd.s32 s3, s9;
	s6 =	sadd.s32 @!p0 $0x88, s6;
	s7 =	simm.s32 @p2 $0x1082  }
0x22: {  	[simem:s7], [sflag:s8] =	dma.local @!p0 [hbm:s6], $0xF7A  }
0x23: {  	s9 =	sor.u32 $0xD0000000, s2;
	s6 =	simm.s32 $0x108;
	_ =	swait.ge @!p0 [sflag:s8], $0x0  }
0x24: {  	s3 =	sadd.s32 $0x88, s3;
	s6 =	simm.s32 @!p1 $0x1082;
	[sflag:s4] =	ssyncset.s32 $0xFFFFF086  }
0x25: {  	[simem:s6], [sflag:s4] =	dma.local [hbm:s3], $0xF7A  }
0x26: {  	[smem:$0x3F9C] =	sst s1;
	(tag) =	ssettag s2;
	_ =	strace s9  }
0x27: {  	s1 =	sld [smem:$0x3FAC]  }
0x28: {  	s2 =	sld [smem:$0x3FAD]  }
0x29: {  	s4 =	sld [smem:$0x3FAF]  }
0x2a: {  	p0 =	seq.s32 s5, $0x0;
	s5 =	sld [smem:$0x3FB0]  }
0x2b: {  	s6 =	sld [smem:$0x3FB1]  }
0x2c: {  	s7 =	sld [smem:$0x3FB2]  }
0x2d: {  	s3 =	simm.s32 $0x108;
	s8 =	sld [smem:$0x3FB3]  }
0x2e: {  	s3 =	simm.s32 @!p0 $0x1082;
	s9 =	sld [smem:$0x3FB4]  }
0x2f: {  	lr =	sadd.s32 s0, s3;
	s0 =	sld [smem:$0x3FAB]  }
0x30: {  	s3 =	sld [smem:$0x3FAE]  }
0x31: {  	[smem:$0x3FB7] =	sst s10  }
0x32: {  	s10 =	sld [smem:$0x3FB5];
	_ =	sdelay $0x3  }
0x33: {  	p0 =	seq.s32 s10, $0x1;
	s10 =	sld [smem:$0x3FB7];
	_ =	sdelay $0x3  }
0x34: {  	[smem:$0x3FB7] =	sst s10  }
0x35: {  	s10 =	sld [smem:$0x3FB6];
	_ =	sdelay $0x3  }
0x36: {  	p1 =	seq.s32 s10, $0x1;
	s10 =	sld [smem:$0x3FB7];
	_ =	sdelay $0x3  }
0x37: {  	[smem:$0x3FB7] =	sst s10  }
0x38: {  	s10 =	sld [smem:$0x3FB8]  }
0x39: {  	_ = 	snop;
	(pc) =	sbr.ind lr, $3  }
0x3a: {  	_ = 	snop  }
0x3b: {  	_ = 	snop  }
0x3c: {  	p2 =	seq.s32 s10, $0x1;
	s10 =	sld [smem:$0x3FB7]  }
0x3d: {  	_ =	shalt  }
0x3e: {  	_ =	shalt  }
0x3f: {  	_ =	shalt  }
0x40: {  	_ =	shalt  }
0x41: {  	_ =	shalt  }
0x42: {  	_ =	shalt  }
0x43: {  	_ =	shalt  }
0x44: {  	_ =	shalt  }
0x45: {  	_ =	shalt  }
0x46: {  	_ =	shalt  }
0x47: {  	_ =	shalt  }
0x48: {  	_ =	shalt  }
0x49: {  	_ =	shalt  }
0x4a: {  	_ =	shalt  }
0x4b: {  	_ =	shalt  }
0x4c: {  	_ =	shalt  }
0x4d: {  	_ =	shalt  }
0x4e: {  	_ =	shalt  }
0x4f: {  	_ =	shalt  }
0x50: {  	_ =	shalt  }
0x51: {  	_ =	shalt  }
0x52: {  	_ =	shalt  }
0x53: {  	_ =	shalt  }
0x54: {  	_ =	shalt  }
0x55: {  	_ =	shalt  }
0x56: {  	_ =	shalt  }
0x57: {  	_ =	shalt  }
0x58: {  	_ =	shalt  }
0x59: {  	_ =	shalt  }
0x5a: {  	_ =	shalt  }
0x5b: {  	_ =	shalt  }
0x5c: {  	_ =	shalt  }
0x5d: {  	_ =	shalt  }
0x5e: {  	_ =	shalt  }
0x5f: {  	_ =	shalt  }
0x60: {  	_ =	shalt  }
0x61: {  	_ =	shalt  }
0x62: {  	_ =	shalt  }
0x63: {  	_ =	shalt  }
0x64: {  	_ =	shalt  }
0x65: {  	_ =	shalt  }
0x66: {  	_ =	shalt  }
0x67: {  	_ =	shalt  }
0x68: {  	_ =	shalt  }
0x69: {  	_ =	shalt  }
0x6a: {  	_ =	shalt  }
0x6b: {  	_ =	shalt  }
0x6c: {  	_ =	shalt  }
0x6d: {  	_ =	shalt  }
0x6e: {  	_ =	shalt  }
0x6f: {  	_ =	shalt  }
0x70: {  	_ =	shalt  }
0x71: {  	_ =	shalt  }
0x72: {  	_ =	shalt  }
0x73: {  	_ =	shalt  }
0x74: {  	_ =	shalt  }
0x75: {  	_ =	shalt  }
0x76: {  	_ =	shalt  }
0x77: {  	_ =	shalt  }
0x78: {  	_ =	shalt  }
0x79: {  	_ =	shalt  }
0x7a: {  	_ =	shalt  }
0x7b: {  	_ =	shalt  }
0x7c: {  	_ =	shalt  }
0x7d: {  	_ =	shalt  }
0x7e: {  	_ =	shalt  }
0x7f: {  	_ =	shalt  }
0x80: {  	_ =	shalt  }
0x81: {  	_ =	shalt  }
0x82: {  	_ =	shalt  }
0x83: {  	_ =	shalt  }
0x84: {  	_ =	shalt  }
0x85: {  	_ =	shalt  }
0x86: {  	_ =	shalt  }
0x87: {  	_ =	shalt  }
.Lfunc_end0:
.L_simem_size_0:
called_computation_lowered:
.L_overlay_start_0:
0x88: {  	s2 =	sld [smem:$0x3FD9]  }
0x89: {  	s3 =	sld [smem:$0x3FFE];
	_ =	sdelay $0x1  }
0x8a: {  	s1 =	srdreg.scid  }
0x8b: {  	s0 =	sand.u32 $0x1, s1  }
0x8c: {  	s17 =	sshll.u32 s0, $0xA;
	s2 =	sadd.s32 s3, s2  }
0x8d: {  	s2 =	sadd.s32 s2, s17  }
0x8e: {  	[smem:$0x3FC3] =	sst s2  }
0x8f: {  	_ = 	snop  }
0x90: {  	s2 =	sld [smem:$0x3FD0];
	(tm) =	ssettm $0x1  }
0x91: {  	s18 =	sld [smem:$0x3FFB];
	_ =	sdelay $0x3  }
0x92: {  	_ =	strace s18  }
0x93: {  	s3 =	sld [smem:$0x3FFC];
	_ =	sdelay $0x3  }
0x94: {  	_ =	strace s3  }
0x95: {  	s3 =	sld [smem:$0x3FFD];
	_ =	sdelay $0x3  }
0x96: {  	_ =	strace s3  }
0x97: {  	_ =	strace $0x8FFFFFFF  }
0x98: {  	s19 =	sld [smem:$0x3FDB];
	_ =	sdelay $0x1  }
0x99: {  	s4 =	simm.s32 $_scs_section_size  }
0x9a: {  	s5 =	simm.s32 $_size__tile_overlayer_lowered;
	s6 =	simm.s32 $_tile_overlayer_lowered  }
0x9b: {  	s22 =	simm.s32 $0x1BFF;
	s21 =	sshll.u32 s6, $0x1;
	s3 =	sadd.s32 s4, s19  }
0x9c: {  	s7 =	simm.s32 $0x0;
	s20 =	sshll.u32 s5, $0x1;
	s5 =	sadd.s32 s21, s3  }
0x9d: {  	[timem:s7], [sflag:s22] =	dma.local [hbm:s5], s20  }
0x9e: {  	_ =	swait.ge [sflag:s22], s20  }
0x9f: {  	s4 =	ssub.s32 $0x0, s20;
	[sflag:s22] =	ssyncset.done $0x0  }
0xa0: {  	[sflag:s22] =	ssyncadd.s32 s4;
	_ =	sdelay $0x1  }
0xa1: {  	s23 =	simm.s32 $0x1B8B  }
0xa2: {  	_ =	swait.ge [sflag:s23], $0x1  }
0xa3: {  	[sflag:s23] =	ssyncset.done $0x0  }
0xa4: {  	s25 =	simm.s32 $0x1B8E;
	s24 =	sld [smem:$0x3FFE];
	[sflag:s23] =	ssyncadd.s32 $0xFFFFFFFF  }
0xa5: {  	s26 =	simm.s32 $execute0_lowered;
	[smem:$0x3FD2] =	sst s25  }
0xa6: {  	s5 =	sshll.u32 s26, $0x1;
	_ =	strace $0x80000046;
	[dreg:$0x1] =	wrdreg $0xFFFFFFFF  }
0xa7: {  	s28 =	simm.s32 $_size_execute0_lowered;
	s3 =	sadd.s32 s3, s5;
	[dreg:$0x0] =	wrdreg $0x0  }
0xa8: {  	s5 =	sshll.u32 s28, $0x1;
	[dreg:$0x2] =	wrdreg s3  }
0xa9: {  	[dreg:$0x3] =	wrdreg s5  }
0xaa: {  	[dreg:$0x4] =	wrdreg $0xC0  }
0xab: {  	_ =	task [dreg:s7], $0x5FFFF  }
0xac: {  	[dreg:$0x1] =	wrdreg $0xFFFFFFFF  }
0xad: {  	[dreg:$0x0] =	wrdreg $0x60  }
0xae: {  	[dreg:$0x2] =	wrdreg s24  }
0xaf: {  	[dreg:$0x3] =	wrdreg s2  }
0xb0: {  	[dreg:$0x4] =	wrdreg $0x9  }
0xb1: {  	_ =	task.clear_ibuf [dreg:s7], $0x5FFFF;
	_ =	strace $0x90000046  }
0xb2: {  	s29 =	simm.s32 $0x9;
	_ =	strace $0x80000048  }
0xb3: {  	_ =	swait.ge [sflag:s29], $0x1  }
0xb4: {  	[sflag:s29] =	ssyncadd.s32 $0xFFFFFFFF  }
0xb5: {  	_ =	strace $0x90000048  }
0xb6: {  	_ =	sfence  }
0xb7: {  	s30 =	sld [smem:$0x0];
	_ =	sdelay $0x2  }
0xb8: {  	s31 =	sshll.u32 s1, $0xD;
	s1 =	sshrl.u32 s1, $0x2  }
0xb9: {  	s3 =	sand.u32 $0x4000, s31;
	s1 =	sadd.s32 s1, s30  }
0xba: {  	s0 =	sor.u32 s3, s0;
	s1 =	sshll.u32 s1, $0x11  }
0xbb: {  	s0 =	sor.u32 s1, s0  }
0xbc: {  	s0 =	sadd.s32 $0x8F2B, s0  }
0xbd: {  	[sflag:s0] =	ssyncadd.remote.s32 $0x1  }
0xbe: {  	_ =	sfence.sel $0xFFFF  }
0xbf: {  	[dreg:$0x0] =	wrdreg $0xFFFFFFFF;
	(pc) =	sbr.abs _section_cstart, $3  }
0xc0: {  	[dreg:$0x1] =	wrdreg $0xFFFFFFFF  }
0xc1: {  	_ =	task.clear_ibuf [dreg:s7], $0x2FFFF;
	_ =	strace $0x9FFFFFFF  }
0xc2: {  	(tm) =	ssettm $0x7FFFFFFF  }
0xc3: {  	_ =	shalt  }
tec
execute0_lowered:
.L_overlay_start_1:
0x0: {  	(tag) =	ssettag $0x1  }
0x1: {  	s1 =	srdreg.scid  }
0x2: {  	s8 =	rddreg [dreg:$0x0];
	s0 =	stileid.u32;
	s21 =	sand.u32 $0x1, s1  }
0x3: {  	s2 =	rddreg [dreg:$0x1];
	s4 =	sshll.u32 s0, $0x7;
	s5 =	sshll.u32 s21, $0x6  }
0x4: {  	s3 =	simm.s32 $0x0;
	s1 =	rddreg [dreg:$0x2];
	s4 =	sor.u32 s5, s4  }
0x5: {  	[smem:$0x7FF] =	sst s3;
	s6 =	sadd.s32 s4, s8  }
0x6: {  	_ =	strace $0x80000047;
	s5 =	simm.s32 $0x3;
	s4 =	sadd.s32 $0x1000, s6  }
0x7: {  	[tilespmem:s3], [sflag:$0x3] =	stream.linear.gather [hbm4b:s4+s3], $0x200, $0x38;
	[tilespmem:$0x4400] =	vst v63  }
0x8: {  	_ =	swait.ge [sflag:s5], $0x200  }
0x9: {  	[sflag:s5] =	ssyncset.done $0x0  }
0xa: {  	s7 =	simm.s32 $0x200;
	s6 =	sadd.s32 $0x63800, s6;
	[sflag:s5] =	ssyncadd.s32 $0xFFFFFE00  }
0xb: {  	[tilespmem:s7], [sflag:$0x3] =	stream.linear.gather [hbm4b:s6+s3], $0x200, $0x38;
	[tilespmem:$0x4400] =	vst v63  }
0xc: {  	_ =	swait.ge [sflag:s5], $0x200  }
0xd: {  	s9 =	simm.s32 $0x80;
	[sflag:s5] =	ssyncset.done $0x0  }
0xe: {  	s10 =	simm.s32 $0x400;
	s8 =	sadd.s32 $0x1800, s8;
	[sflag:s5] =	ssyncadd.s32 $0xFFFFFE00  }
0xf: {  	[tilespmem:s10], [sflag:$0x1] =	stream.indirect.gather [hbm4b:s8+s9], $0x20, s3, s9, $0xb8;
	[tilespmem:$0x4400] =	vst v63  }
0x10: {  	s11 =	simm.s32 $0x1400  }
0x11: {  	[tilespmem:s11], [sflag:$0x1] =	stream.indirect.gather [hbm4b:s8+s9], $0x20, s9, s9, $0xb8;
	[tilespmem:$0x4400] =	vst v63  }
0x12: {  	s12 =	simm.s32 $0x100;
	s13 =	simm.s32 $0x2400  }
0x13: {  	[tilespmem:s13], [sflag:$0x1] =	stream.indirect.gather [hbm4b:s8+s9], $0x20, s12, s9, $0xb8;
	[tilespmem:$0x4400] =	vst v63  }
0x14: {  	s14 =	simm.s32 $0x180;
	s15 =	simm.s32 $0x3400;
	s16 =	simm.s32 $0x1  }
0x15: {  	[tilespmem:s15], [sflag:$0x1] =	stream.indirect.gather [hbm4b:s8+s9], $0x20, s14, s9, $0xb8;
	[tilespmem:$0x4400] =	vst v63  }
0x16: {  	_ =	swait.ge [sflag:s16], $0x1000  }
0x17: {  	[sflag:s16] =	ssyncset.done $0x0  }
0x18: {  	[sflag:s16] =	ssyncadd.s32 $0xFFFFF000  }
0x19: {  	[hbm4b:s2+s9] =	stream.indirect.scatter [tilespmem:s10], [sflag:$0x2], $0x20, s7, s9, $0xb8;
	[tilespmem:$0x4400] =	vst v63  }
0x1a: {  	_ =	swait.ge [sflag:s16], $0x1000  }
0x1b: {  	[sflag:s16] =	ssyncset.done $0x0  }
0x1c: {  	s17 =	simm.s32 $0x280;
	[sflag:s16] =	ssyncadd.s32 $0xFFFFF000  }
0x1d: {  	[hbm4b:s2+s9] =	stream.indirect.scatter [tilespmem:s11], [sflag:$0x2], $0x20, s17, s9, $0xb8;
	[tilespmem:$0x4400] =	vst v63  }
0x1e: {  	_ =	swait.ge [sflag:s16], $0x1000  }
0x1f: {  	[sflag:s16] =	ssyncset.done $0x0  }
0x20: {  	s18 =	simm.s32 $0x300;
	[sflag:s16] =	ssyncadd.s32 $0xFFFFF000  }
0x21: {  	[hbm4b:s2+s9] =	stream.indirect.scatter [tilespmem:s13], [sflag:$0x2], $0x20, s18, s9, $0xb8;
	[tilespmem:$0x4400] =	vst v63  }
0x22: {  	_ =	swait.ge [sflag:s16], $0x1000  }
0x23: {  	[sflag:s16] =	ssyncset.done $0x0  }
0x24: {  	s20 =	simm.s32 $0x380;
	s19 =	simm.s32 $0x2;
	[sflag:s16] =	ssyncadd.s32 $0xFFFFF000  }
0x25: {  	[hbm4b:s2+s9] =	stream.indirect.scatter [tilespmem:s15], [sflag:$0x2], $0x20, s20, s9, $0xb8;
	[tilespmem:$0x4400] =	vst v63  }
0x26: {  	_ =	swait.ge [sflag:s19], $0x1000  }
0x27: {  	s21 =	ssub.s32 $0x2, s21;
	[sflag:s19] =	ssyncset.done $0x0  }
0x28: {  	s22 =	sshrl.u32 s21, $0x1;
	[sflag:s19] =	ssyncadd.s32 $0xFFFFF000  }
0x29: {  	s21 =	ssub.s32 s21, s22;
	_ =	swait.ge [sflag:s19], $0x1000  }
0x2a: {  	s21 =	smax.u32 s21, $0x1;
	[sflag:s19] =	ssyncset.done $0x0  }
0x2b: {  	p0 =	sne.s32 s21, $0x1;
	[sflag:s19] =	ssyncadd.s32 $0xFFFFF000  }
.Ltmp0:
0x2c: {  	_ =	swait.ge [sflag:s19], $0x1000;
	(pc) =	sbr.rel @!p0 .LBB2_2-.Ltmp0, $4  }
0x2d: {  	[sflag:s19] =	ssyncset.done $0x0  }
0x2e: {  	[sflag:s19] =	ssyncadd.s32 $0xFFFFF000  }
0x2f: {  	_ =	swait.ge [sflag:s19], $0x1000  }
0x30: {  	s21 =	sadd.s32 $0xFFFFFFFF, s21;
	[sflag:s19] =	ssyncset.done $0x0  }
.LBB2_1:
0x31: {  	p0 =	sne.s32 s21, $0x1;
	s21 =	sadd.s32 $0xFFFFFFFF, s21;
	[sflag:s19] =	ssyncadd.s32 $0xFFFFF000  }
0x32: {  	[tilespmem:s3], [sflag:$0x3] =	stream.linear.gather [hbm4b:s4+s3], $0x200, $0x38;
	[tilespmem:$0x4400] =	vst v63  }
0x33: {  	_ =	swait.ge [sflag:s5], $0x200  }
0x34: {  	[sflag:s5] =	ssyncset.done $0x0  }
0x35: {  	[sflag:s5] =	ssyncadd.s32 $0xFFFFFE00  }
0x36: {  	[tilespmem:s7], [sflag:$0x3] =	stream.linear.gather [hbm4b:s6+s3], $0x200, $0x38;
	[tilespmem:$0x4400] =	vst v63  }
0x37: {  	_ =	swait.ge [sflag:s5], $0x200  }
0x38: {  	[sflag:s5] =	ssyncset.done $0x0  }
0x39: {  	[sflag:s5] =	ssyncadd.s32 $0xFFFFFE00  }
0x3a: {  	[tilespmem:s10], [sflag:$0x1] =	stream.indirect.gather [hbm4b:s8+s9], $0x20, s3, s9, $0xb8;
	[tilespmem:$0x4400] =	vst v63  }
0x3b: {  	_ = 	snop  }
0x3c: {  	[tilespmem:s11], [sflag:$0x1] =	stream.indirect.gather [hbm4b:s8+s9], $0x20, s9, s9, $0xb8;
	[tilespmem:$0x4400] =	vst v63  }
0x3d: {  	_ = 	snop  }
0x3e: {  	[tilespmem:s13], [sflag:$0x1] =	stream.indirect.gather [hbm4b:s8+s9], $0x20, s12, s9, $0xb8;
	[tilespmem:$0x4400] =	vst v63  }
0x3f: {  	_ = 	snop  }
0x40: {  	[tilespmem:s15], [sflag:$0x1] =	stream.indirect.gather [hbm4b:s8+s9], $0x20, s14, s9, $0xb8;
	[tilespmem:$0x4400] =	vst v63  }
0x41: {  	_ =	swait.ge [sflag:s16], $0x1000  }
0x42: {  	[sflag:s16] =	ssyncset.done $0x0  }
0x43: {  	[sflag:s16] =	ssyncadd.s32 $0xFFFFF000  }
0x44: {  	[hbm4b:s2+s9] =	stream.indirect.scatter [tilespmem:s10], [sflag:$0x2], $0x20, s7, s9, $0xb8;
	[tilespmem:$0x4400] =	vst v63  }
0x45: {  	_ =	swait.ge [sflag:s16], $0x1000  }
0x46: {  	[sflag:s16] =	ssyncset.done $0x0  }
0x47: {  	[sflag:s16] =	ssyncadd.s32 $0xFFFFF000  }
0x48: {  	[hbm4b:s2+s9] =	stream.indirect.scatter [tilespmem:s11], [sflag:$0x2], $0x20, s17, s9, $0xb8;
	[tilespmem:$0x4400] =	vst v63  }
0x49: {  	_ =	swait.ge [sflag:s16], $0x1000  }
0x4a: {  	[sflag:s16] =	ssyncset.done $0x0  }
0x4b: {  	[sflag:s16] =	ssyncadd.s32 $0xFFFFF000  }
0x4c: {  	[hbm4b:s2+s9] =	stream.indirect.scatter [tilespmem:s13], [sflag:$0x2], $0x20, s18, s9, $0xb8;
	[tilespmem:$0x4400] =	vst v63  }
0x4d: {  	_ =	swait.ge [sflag:s16], $0x1000  }
0x4e: {  	[sflag:s16] =	ssyncset.done $0x0  }
0x4f: {  	[sflag:s16] =	ssyncadd.s32 $0xFFFFF000  }
0x50: {  	[hbm4b:s2+s9] =	stream.indirect.scatter [tilespmem:s15], [sflag:$0x2], $0x20, s20, s9, $0xb8;
	[tilespmem:$0x4400] =	vst v63  }
0x51: {  	_ =	swait.ge [sflag:s19], $0x1000  }
0x52: {  	[sflag:s19] =	ssyncset.done $0x0  }
0x53: {  	[sflag:s19] =	ssyncadd.s32 $0xFFFFF000  }
0x54: {  	_ =	swait.ge [sflag:s19], $0x1000  }
0x55: {  	[sflag:s19] =	ssyncset.done $0x0  }
0x56: {  	[sflag:s19] =	ssyncadd.s32 $0xFFFFF000  }
.Ltmp1:
0x57: {  	_ =	swait.ge [sflag:s19], $0x1000;
	(pc) =	sbr.rel @p0 .LBB2_1-.Ltmp1, $4  }
0x58: {  	[sflag:s19] =	ssyncset.done $0x0  }
0x59: {  	[sflag:s19] =	ssyncadd.s32 $0xFFFFF000  }
0x5a: {  	_ =	swait.ge [sflag:s19], $0x1000  }
0x5b: {  	[sflag:s19] =	ssyncset.done $0x0  }
.LBB2_2:
0x5c: {  	[sflag:s19] =	ssyncadd.s32 $0xFFFFF000  }
0x5d: {  	_ =	sfence.sel $0x180000  }
0x5e: {  	[bflag:$0x0] =	sbarrier.arrive $0xFFFF  }
0x5f: {  	p0 =	sne.s32 s0, $0x0;
	_ =	strace $0x90000047  }
0x60: {  	s0 =	sadd.s32 @!p0 $0x100000, s1;
	[bflag:$0x2] =	sbarrier.arrive $0xFFFF  }
0x61: {  	[sflag:s0] =	ssyncadd.tile.s32 @!p0 $0x1;
	_ =	shalt  }
.Lfunc_end2:
_tile_overlayer_lowered:
.L_overlay_start_2:
0x62: {  	(tag) =	ssettag $0x2  }
0x63: {  	s0 =	rddreg [dreg:$0x0];
	s2 =	stileid.u32  }
0x64: {  	s1 =	rddreg [dreg:$0x1];
	p0 =	sne.s32 s2, $0x0  }
0x65: {  	s3 =	rddreg [dreg:$0x2];
	[bflag:$0x3] =	sbarrier.arrive $0xFFFF;
	s2 =	simm.s32 @!p0 $0x1C03  }
0x66: {  	[timem:s3], [sflag:s2] =	dma.local @!p0 [hbm:s0], s1  }
0x67: {  	s0 =	simm.s32 @!p0 $0x3  }
0x68: {  	_ =	swait.ge @!p0 [sflag:s0], s1  }
0x69: {  	s1 =	ssub.s32 @!p0 $0x0, s1;
	[sflag:s0] =	ssyncset.done @!p0 $0x0  }
0x6a: {  	[sflag:s0] =	ssyncadd.s32 @!p0 s1  }
0x6b: {  	[bflag:$0x3] =	sbarrier.arrive $0xFFFF  }
0x6c: {  	_ =	shalt  }

</sc_bundles>
